<compile_context>
chip_gen: v7x
topology: tpu7x:2x2x1
jax: 0.10.2.dev20260603
libtpu: 0.0.44.dev20260713+nightly
codegen_flags: <defaults>
</compile_context>

<pallas_src>
import functools

import jax
import jax.numpy as jnp
from jax import lax
from jax.experimental import pallas as pl
from jax.experimental.pallas import tpu as pltpu
from jax.experimental.pallas import tpu_sc as plsc

_LANES = 16


def _tc_ssq_and_rowvals(xt, tgt3, B, C, grid):
    grid_b = grid
    NSPLIT = 5
    CH = C // NSPLIT
    BP = B // grid_b

    def body(*refs):
        x_refs = refs[:NSPLIT]
        t_ref, o_ref, g_ref = refs[NSPLIT:]
        j = pl.program_id(0)

        @pl.when(j == 0)
        def _init_ssq():
            o_ref[0, 0] = 0.0

        t = t_ref[0, 0, :]
        acc = jnp.zeros((BP,), jnp.float32)
        ssq = 0.0
        for s, x_ref in enumerate(x_refs):
            xb = x_ref[...]
            ssq += jnp.sum(xb * xb)
            cls = lax.broadcasted_iota(jnp.int32, (CH, BP), 0) + s * CH
            acc = acc + jnp.sum(jnp.where(cls == t[None, :], xb, 0.0),
                                axis=0)
        o_ref[0, 0] += ssq
        g_ref[0, 0, :] = acc

    def _mk_spec(s):
        return pl.BlockSpec((CH, BP), lambda j, s=s: (s, j))

    return pl.pallas_call(
        body,
        grid=(grid_b,),
        in_specs=[_mk_spec(s) for s in range(NSPLIT)] + [
            pl.BlockSpec((1, 1, BP), lambda j: (0, 0, j)),
        ],
        out_specs=[
            pl.BlockSpec(memory_space=pltpu.SMEM),
            pl.BlockSpec((1, 1, BP), lambda j: (0, 0, j)),
        ],
        out_shape=[
            jax.ShapeDtypeStruct((1, 1), jnp.float32),
            jax.ShapeDtypeStruct((1, 1, B), jnp.float32),
        ],
    )(*([xt] * NSPLIT + [tgt3]))


def _sc_finalize(gathered, ssq16, B, C):
    NC = 2
    NCHUNK = B // _LANES
    inv_n = 1.0 / (B * C)

    mesh = plsc.VectorSubcoreMesh(core_axis_name="c", subcore_axis_name="s")

    @functools.partial(
        pl.kernel,
        out_type=jax.ShapeDtypeStruct((_LANES,), jnp.float32),
        mesh=mesh,
        scratch_types=[
            pltpu.VMEM((B,), jnp.float32),
            pltpu.VMEM((_LANES,), jnp.float32),
            pltpu.VMEM((_LANES,), jnp.float32),
        ],
    )
    def sc_kernel(g_hbm, s_hbm, out_hbm, g_v, s_v, res_v):
        wid = lax.axis_index("s") * NC + lax.axis_index("c")

        @pl.when(wid == 0)
        def _work():
            pltpu.sync_copy(g_hbm, g_v)
            pltpu.sync_copy(s_hbm, s_v)

            UNROLL = 8

            def chunk(j, accs):
                base = j * UNROLL * _LANES
                return tuple(
                    accs[u] + g_v[pl.ds(base + u * _LANES, _LANES)]
                    for u in range(UNROLL)
                )

            zeros = jnp.zeros((_LANES,), jnp.float32)
            accs = lax.fori_loop(0, NCHUNK // UNROLL, chunk,
                                 (zeros,) * UNROLL)
            acc = accs[0]
            for u in range(1, UNROLL):
                acc = acc + accs[u]
            lane = lax.iota(jnp.int32, _LANES)
            for sh in (8, 4, 2, 1):
                acc = acc + acc[lax.bitwise_and(lane + sh, _LANES - 1)]
            res_v[...] = (s_v[...] - 2.0 * acc + float(B)) * inv_n
            pltpu.sync_copy(res_v, out_hbm)

    return sc_kernel(gathered, ssq16)


def kernel(input_score, target):
    B, C = input_score.shape
    GRID = 8
    xt = input_score.T
    tgt3 = target.reshape(1, 1, B).astype(jnp.int32)
    ssq, gathered3 = _tc_ssq_and_rowvals(xt, tgt3, B, C, GRID)
    gathered = gathered3.reshape(B)
    ssq16 = jnp.broadcast_to(ssq.reshape(1), (_LANES,))
    out = _sc_finalize(gathered, ssq16, B, C)
    return out[0]

# --- scband reference (transcript-rebuilt; emitter-appended) ---
"""Pipeline reference for scband-p2-sgrad-loss-24412594110843 (READ-ONLY COPY).

The authoritative reference and input builder live on the scoring server;
editing this copy changes nothing except your own understanding.
"""

import jax, jax.numpy as jnp
import numpy as np


def setup_inputs(seed: int = 0) -> dict:
    key = jax.random.key(seed)
    k1, k2 = jax.random.split(key)
    B, C = 16384, 1000
    input_score = jax.random.normal(k1, (B, C), dtype=jnp.float32)
    target = jax.random.randint(k2, (B, 1), 0, C, dtype=jnp.int32)
    return {"input_score": input_score, "target": target}


def reference(input_score, target):
    # target has shape (B, 1) so the argmax branch is skipped (shape[1] == 1)
    tgt = target.reshape(-1).astype(jnp.int32)
    B = input_score.shape[0]
    # index = one-hot scatter: zeros_like(input_score).scatter_(1, target, 1)
    index = jnp.zeros_like(input_score).at[jnp.arange(B), tgt].set(1.0)
    # label_reverse=False, so no label flipping
    loss = jnp.mean((input_score - index) ** 2)
    return loss

if __name__ == "__main__":
    import jax
    _d = setup_inputs()
    print(jax.jit(kernel)(*tuple(_d.values())))

</pallas_src>

<mosaic_0001>
#map = affine_map<(d0, d1) -> (0)>
module attributes {stable_mosaic.version = 14 : i64} {
  func.func @sc_kernel(%arg0: i32, %arg1: i32, %arg2: memref<16384xf32, #tpu.memory_space<hbm>>, %arg3: memref<16xf32, #tpu.memory_space<hbm>>, %arg4: memref<16xf32, #tpu.memory_space<hbm>>, %arg5: memref<16384xf32, #tpu.memory_space<vmem>>, %arg6: memref<16xf32, #tpu.memory_space<vmem>>, %arg7: memref<16xf32, #tpu.memory_space<vmem>>) attributes {dimension_semantics = [#tpu.dimension_semantics<core_parallel>, #tpu.dimension_semantics<subcore_parallel>], iteration_bounds = array<i64: 2, 16>, scalar_prefetch = 0 : i64, scratch_operands = 3 : i64, tpu.core_type = #tpu.core_type<sc_vector_subcore>, window_params = [{transform_indices = #map}, {transform_indices = #map}, {transform_indices = #map}]} {
    %mul3A = arith.constant 2 : i32
    %mul3A_0 = arith.muli %arg1, %mul3A : i32
    %add3A = arith.addi %mul3A_0, %arg0 : i32
    %eq3A = arith.constant 0 : i32
    %eq3A_1 = arith.cmpi eq, %add3A, %eq3A : i32
    %convert_element_type3A = arith.extui %eq3A_1 : i1 to i32
    %cond3A = arith.constant 0 : i32
    %cond3A_2 = arith.cmpi ne, %convert_element_type3A, %cond3A : i32
    scf.if %cond3A_2 {
      "tpu.region"() ({
        %run_scoped3A = tpu.sem_alloc : memref<!tpu.dma_semaphore, #tpu.memory_space<semaphore_mem>>
        tpu.enqueue_dma source(%arg2 : memref<16384xf32, #tpu.memory_space<hbm>>) target(%arg5 : memref<16384xf32, #tpu.memory_space<vmem>>) target_semaphore(%run_scoped3A : memref<!tpu.dma_semaphore, #tpu.memory_space<semaphore_mem>>)
        tpu.wait_dma2 semaphore(%run_scoped3A : memref<!tpu.dma_semaphore, #tpu.memory_space<semaphore_mem>>) src(%arg2 : memref<16384xf32, #tpu.memory_space<hbm>>) dst(%arg5 : memref<16384xf32, #tpu.memory_space<vmem>>)
        tpu.yield
      }) : () -> ()
      "tpu.region"() ({
        %run_scoped3A = tpu.sem_alloc : memref<!tpu.dma_semaphore, #tpu.memory_space<semaphore_mem>>
        tpu.enqueue_dma source(%arg3 : memref<16xf32, #tpu.memory_space<hbm>>) target(%arg6 : memref<16xf32, #tpu.memory_space<vmem>>) target_semaphore(%run_scoped3A : memref<!tpu.dma_semaphore, #tpu.memory_space<semaphore_mem>>)
        tpu.wait_dma2 semaphore(%run_scoped3A : memref<!tpu.dma_semaphore, #tpu.memory_space<semaphore_mem>>) src(%arg3 : memref<16xf32, #tpu.memory_space<hbm>>) dst(%arg6 : memref<16xf32, #tpu.memory_space<vmem>>)
        tpu.yield
      }) : () -> ()
      %broadcast_in_dim3A = arith.constant 0.000000e+00 : f32
      %broadcast_in_dim3A_3 = vector.broadcast %broadcast_in_dim3A : f32 to vector<16xf32>
      %scan3A = arith.constant 0 : i32
      %scan3A_4 = arith.constant 128 : i32
      %scan3A_5 = arith.addi %scan3A, %scan3A_4 : i32
      %scan3A_6 = arith.constant 1 : i32
      %scan3A_7:8 = scf.for %scan3A_94 = %scan3A to %scan3A_5 step %scan3A_6 iter_args(%scan3A_95 = %broadcast_in_dim3A_3, %scan3A_96 = %broadcast_in_dim3A_3, %scan3A_97 = %broadcast_in_dim3A_3, %scan3A_98 = %broadcast_in_dim3A_3, %scan3A_99 = %broadcast_in_dim3A_3, %scan3A_100 = %broadcast_in_dim3A_3, %scan3A_101 = %broadcast_in_dim3A_3, %scan3A_102 = %broadcast_in_dim3A_3) -> (vector<16xf32>, vector<16xf32>, vector<16xf32>, vector<16xf32>, vector<16xf32>, vector<16xf32>, vector<16xf32>, vector<16xf32>)  : i32 {
        %mul3A_103 = arith.constant 8 : i32
        %mul3A_104 = arith.muli %scan3A_94, %mul3A_103 : i32
        %mul3A_105 = arith.constant 16 : i32
        %mul3A_106 = arith.muli %mul3A_104, %mul3A_105 : i32
        %add3A_107 = arith.constant 0 : i32
        %add3A_108 = arith.addi %mul3A_106, %add3A_107 : i32
        %get3A_109 = arith.index_cast %add3A_108 : i32 to index
        %get3A_110 = tpu.vector_load %arg5[%get3A_109] {strides = array<i32>} : memref<16384xf32, #tpu.memory_space<vmem>>, vector<16xf32>,
        %get3A_111 = vector.shape_cast %get3A_110 : vector<16xf32> to vector<16xf32>
        %add3A_112 = arith.addf %scan3A_95, %get3A_111 : vector<16xf32>
        %add3A_113 = arith.constant 16 : i32
        %add3A_114 = arith.addi %mul3A_106, %add3A_113 : i32
        %get3A_115 = arith.index_cast %add3A_114 : i32 to index
        %get3A_116 = tpu.vector_load %arg5[%get3A_115] {strides = array<i32>} : memref<16384xf32, #tpu.memory_space<vmem>>, vector<16xf32>,
        %get3A_117 = vector.shape_cast %get3A_116 : vector<16xf32> to vector<16xf32>
        %add3A_118 = arith.addf %scan3A_96, %get3A_117 : vector<16xf32>
        %add3A_119 = arith.constant 32 : i32
        %add3A_120 = arith.addi %mul3A_106, %add3A_119 : i32
        %get3A_121 = arith.index_cast %add3A_120 : i32 to index
        %get3A_122 = tpu.vector_load %arg5[%get3A_121] {strides = array<i32>} : memref<16384xf32, #tpu.memory_space<vmem>>, vector<16xf32>,
        %get3A_123 = vector.shape_cast %get3A_122 : vector<16xf32> to vector<16xf32>
        %add3A_124 = arith.addf %scan3A_97, %get3A_123 : vector<16xf32>
        %add3A_125 = arith.constant 48 : i32
        %add3A_126 = arith.addi %mul3A_106, %add3A_125 : i32
        %get3A_127 = arith.index_cast %add3A_126 : i32 to index
        %get3A_128 = tpu.vector_load %arg5[%get3A_127] {strides = array<i32>} : memref<16384xf32, #tpu.memory_space<vmem>>, vector<16xf32>,
        %get3A_129 = vector.shape_cast %get3A_128 : vector<16xf32> to vector<16xf32>
        %add3A_130 = arith.addf %scan3A_98, %get3A_129 : vector<16xf32>
        %add3A_131 = arith.constant 64 : i32
        %add3A_132 = arith.addi %mul3A_106, %add3A_131 : i32
        %get3A_133 = arith.index_cast %add3A_132 : i32 to index
        %get3A_134 = tpu.vector_load %arg5[%get3A_133] {strides = array<i32>} : memref<16384xf32, #tpu.memory_space<vmem>>, vector<16xf32>,
        %get3A_135 = vector.shape_cast %get3A_134 : vector<16xf32> to vector<16xf32>
        %add3A_136 = arith.addf %scan3A_99, %get3A_135 : vector<16xf32>
        %add3A_137 = arith.constant 80 : i32
        %add3A_138 = arith.addi %mul3A_106, %add3A_137 : i32
        %get3A_139 = arith.index_cast %add3A_138 : i32 to index
        %get3A_140 = tpu.vector_load %arg5[%get3A_139] {strides = array<i32>} : memref<16384xf32, #tpu.memory_space<vmem>>, vector<16xf32>,
        %get3A_141 = vector.shape_cast %get3A_140 : vector<16xf32> to vector<16xf32>
        %add3A_142 = arith.addf %scan3A_100, %get3A_141 : vector<16xf32>
        %add3A_143 = arith.constant 96 : i32
        %add3A_144 = arith.addi %mul3A_106, %add3A_143 : i32
        %get3A_145 = arith.index_cast %add3A_144 : i32 to index
        %get3A_146 = tpu.vector_load %arg5[%get3A_145] {strides = array<i32>} : memref<16384xf32, #tpu.memory_space<vmem>>, vector<16xf32>,
        %get3A_147 = vector.shape_cast %get3A_146 : vector<16xf32> to vector<16xf32>
        %add3A_148 = arith.addf %scan3A_101, %get3A_147 : vector<16xf32>
        %add3A_149 = arith.constant 112 : i32
        %add3A_150 = arith.addi %mul3A_106, %add3A_149 : i32
        %get3A_151 = arith.index_cast %add3A_150 : i32 to index
        %get3A_152 = tpu.vector_load %arg5[%get3A_151] {strides = array<i32>} : memref<16384xf32, #tpu.memory_space<vmem>>, vector<16xf32>,
        %get3A_153 = vector.shape_cast %get3A_152 : vector<16xf32> to vector<16xf32>
        %add3A_154 = arith.addf %scan3A_102, %get3A_153 : vector<16xf32>
        scf.yield %add3A_112, %add3A_118, %add3A_124, %add3A_130, %add3A_136, %add3A_142, %add3A_148, %add3A_154 : vector<16xf32>, vector<16xf32>, vector<16xf32>, vector<16xf32>, vector<16xf32>, vector<16xf32>, vector<16xf32>, vector<16xf32>
      }
      %scan3A_8 = arith.constant 128 : i32
      %add3A_9 = arith.addf %scan3A_7#0, %scan3A_7#1 : vector<16xf32>
      %add3A_10 = arith.addf %add3A_9, %scan3A_7#2 : vector<16xf32>
      %add3A_11 = arith.addf %add3A_10, %scan3A_7#3 : vector<16xf32>
      %add3A_12 = arith.addf %add3A_11, %scan3A_7#4 : vector<16xf32>
      %add3A_13 = arith.addf %add3A_12, %scan3A_7#5 : vector<16xf32>
      %add3A_14 = arith.addf %add3A_13, %scan3A_7#6 : vector<16xf32>
      %add3A_15 = arith.addf %add3A_14, %scan3A_7#7 : vector<16xf32>
      %iota3A = tpu.iota {dimensions = array<i32: 0>} : vector<16xi32>
      %add3A_16 = arith.constant 8 : i32
      %add3A_17 = vector.broadcast %add3A_16 : i32 to vector<16xi32>
      %add3A_18 = arith.addi %iota3A, %add3A_17 : vector<16xi32>
      %and3A = arith.constant 15 : i32
      %and3A_19 = vector.broadcast %and3A : i32 to vector<16xi32>
      %and3A_20 = arith.andi %add3A_18, %and3A_19 : vector<16xi32>
      %lt3A = arith.constant 0 : i32
      %lt3A_21 = vector.broadcast %lt3A : i32 to vector<16xi32>
      %lt3A_22 = arith.cmpi slt, %and3A_20, %lt3A_21 : vector<16xi32>
      %add3A_23 = arith.constant 16 : i32
      %add3A_24 = vector.broadcast %add3A_23 : i32 to vector<16xi32>
      %add3A_25 = arith.addi %and3A_20, %add3A_24 : vector<16xi32>
      %select_n3A = arith.select %lt3A_22, %add3A_25, %and3A_20 : vector<16xi1>, vector<16xi32>
      %broadcast_in_dim3A_26 = vector.shape_cast %select_n3A : vector<16xi32> to vector<16x1xi32>
      %gather3A = vector.shape_cast %broadcast_in_dim3A_26 : vector<16x1xi32> to vector<16xi32>
      %gather3A_27 = tpu.dynamic_gather %add3A_15[%gather3A] in [0] : vector<16xf32>, vector<16xi32> -> vector<16xf32>
      %add3A_28 = arith.addf %add3A_15, %gather3A_27 : vector<16xf32>
      %add3A_29 = arith.constant 4 : i32
      %add3A_30 = vector.broadcast %add3A_29 : i32 to vector<16xi32>
      %add3A_31 = arith.addi %iota3A, %add3A_30 : vector<16xi32>
      %and3A_32 = arith.constant 15 : i32
      %and3A_33 = vector.broadcast %and3A_32 : i32 to vector<16xi32>
      %and3A_34 = arith.andi %add3A_31, %and3A_33 : vector<16xi32>
      %lt3A_35 = arith.constant 0 : i32
      %lt3A_36 = vector.broadcast %lt3A_35 : i32 to vector<16xi32>
      %lt3A_37 = arith.cmpi slt, %and3A_34, %lt3A_36 : vector<16xi32>
      %add3A_38 = arith.constant 16 : i32
      %add3A_39 = vector.broadcast %add3A_38 : i32 to vector<16xi32>
      %add3A_40 = arith.addi %and3A_34, %add3A_39 : vector<16xi32>
      %select_n3A_41 = arith.select %lt3A_37, %add3A_40, %and3A_34 : vector<16xi1>, vector<16xi32>
      %broadcast_in_dim3A_42 = vector.shape_cast %select_n3A_41 : vector<16xi32> to vector<16x1xi32>
      %gather3A_43 = vector.shape_cast %broadcast_in_dim3A_42 : vector<16x1xi32> to vector<16xi32>
      %gather3A_44 = tpu.dynamic_gather %add3A_28[%gather3A_43] in [0] : vector<16xf32>, vector<16xi32> -> vector<16xf32>
      %add3A_45 = arith.addf %add3A_28, %gather3A_44 : vector<16xf32>
      %add3A_46 = arith.constant 2 : i32
      %add3A_47 = vector.broadcast %add3A_46 : i32 to vector<16xi32>
      %add3A_48 = arith.addi %iota3A, %add3A_47 : vector<16xi32>
      %and3A_49 = arith.constant 15 : i32
      %and3A_50 = vector.broadcast %and3A_49 : i32 to vector<16xi32>
      %and3A_51 = arith.andi %add3A_48, %and3A_50 : vector<16xi32>
      %lt3A_52 = arith.constant 0 : i32
      %lt3A_53 = vector.broadcast %lt3A_52 : i32 to vector<16xi32>
      %lt3A_54 = arith.cmpi slt, %and3A_51, %lt3A_53 : vector<16xi32>
      %add3A_55 = arith.constant 16 : i32
      %add3A_56 = vector.broadcast %add3A_55 : i32 to vector<16xi32>
      %add3A_57 = arith.addi %and3A_51, %add3A_56 : vector<16xi32>
      %select_n3A_58 = arith.select %lt3A_54, %add3A_57, %and3A_51 : vector<16xi1>, vector<16xi32>
      %broadcast_in_dim3A_59 = vector.shape_cast %select_n3A_58 : vector<16xi32> to vector<16x1xi32>
      %gather3A_60 = vector.shape_cast %broadcast_in_dim3A_59 : vector<16x1xi32> to vector<16xi32>
      %gather3A_61 = tpu.dynamic_gather %add3A_45[%gather3A_60] in [0] : vector<16xf32>, vector<16xi32> -> vector<16xf32>
      %add3A_62 = arith.addf %add3A_45, %gather3A_61 : vector<16xf32>
      %add3A_63 = arith.constant 1 : i32
      %add3A_64 = vector.broadcast %add3A_63 : i32 to vector<16xi32>
      %add3A_65 = arith.addi %iota3A, %add3A_64 : vector<16xi32>
      %and3A_66 = arith.constant 15 : i32
      %and3A_67 = vector.broadcast %and3A_66 : i32 to vector<16xi32>
      %and3A_68 = arith.andi %add3A_65, %and3A_67 : vector<16xi32>
      %lt3A_69 = arith.constant 0 : i32
      %lt3A_70 = vector.broadcast %lt3A_69 : i32 to vector<16xi32>
      %lt3A_71 = arith.cmpi slt, %and3A_68, %lt3A_70 : vector<16xi32>
      %add3A_72 = arith.constant 16 : i32
      %add3A_73 = vector.broadcast %add3A_72 : i32 to vector<16xi32>
      %add3A_74 = arith.addi %and3A_68, %add3A_73 : vector<16xi32>
      %select_n3A_75 = arith.select %lt3A_71, %add3A_74, %and3A_68 : vector<16xi1>, vector<16xi32>
      %broadcast_in_dim3A_76 = vector.shape_cast %select_n3A_75 : vector<16xi32> to vector<16x1xi32>
      %gather3A_77 = vector.shape_cast %broadcast_in_dim3A_76 : vector<16x1xi32> to vector<16xi32>
      %gather3A_78 = tpu.dynamic_gather %add3A_62[%gather3A_77] in [0] : vector<16xf32>, vector<16xi32> -> vector<16xf32>
      %add3A_79 = arith.addf %add3A_62, %gather3A_78 : vector<16xf32>
      %get3A = arith.constant 0 : index
      %get3A_80 = tpu.vector_load %arg6[%get3A] {strides = array<i32>} : memref<16xf32, #tpu.memory_space<vmem>>, vector<16xf32>,
      %get3A_81 = vector.shape_cast %get3A_80 : vector<16xf32> to vector<16xf32>
      %mul3A_82 = arith.constant 2.000000e+00 : f32
      %mul3A_83 = vector.broadcast %mul3A_82 : f32 to vector<16xf32>
      %mul3A_84 = arith.mulf %mul3A_83, %add3A_79 : vector<16xf32>
      %sub3A = arith.subf %get3A_81, %mul3A_84 : vector<16xf32>
      %add3A_85 = arith.constant 1.638400e+04 : f32
      %add3A_86 = vector.broadcast %add3A_85 : f32 to vector<16xf32>
      %add3A_87 = arith.addf %sub3A, %add3A_86 : vector<16xf32>
      %mul3A_88 = arith.constant 6.10351591E-8 : f32
      %mul3A_89 = vector.broadcast %mul3A_88 : f32 to vector<16xf32>
      %mul3A_90 = arith.mulf %add3A_87, %mul3A_89 : vector<16xf32>
      %swap3A = arith.constant 0 : index
      %swap3A_91 = tpu.vector_load %arg7[%swap3A] {strides = array<i32>} : memref<16xf32, #tpu.memory_space<vmem>>, vector<16xf32>,
      %swap3A_92 = vector.shape_cast %swap3A_91 : vector<16xf32> to vector<16xf32>
      %swap3A_93 = vector.shape_cast %mul3A_90 : vector<16xf32> to vector<16xf32>
      tpu.vector_store %arg7[%swap3A], %swap3A_93 {strides = array<i32>} : memref<16xf32, #tpu.memory_space<vmem>>, vector<16xf32>,
      "tpu.region"() ({
        %run_scoped3A = tpu.sem_alloc : memref<!tpu.dma_semaphore, #tpu.memory_space<semaphore_mem>>
        tpu.enqueue_dma source(%arg7 : memref<16xf32, #tpu.memory_space<vmem>>) target(%arg4 : memref<16xf32, #tpu.memory_space<hbm>>) target_semaphore(%run_scoped3A : memref<!tpu.dma_semaphore, #tpu.memory_space<semaphore_mem>>)
        tpu.wait_dma2 semaphore(%run_scoped3A : memref<!tpu.dma_semaphore, #tpu.memory_space<semaphore_mem>>) src(%arg7 : memref<16xf32, #tpu.memory_space<vmem>>) dst(%arg4 : memref<16xf32, #tpu.memory_space<hbm>>)
        tpu.yield
      }) : () -> ()
    } else {
    }
    return
  }
}

module attributes {stable_mosaic.version = 14 : i64} {
  func.func @body(%arg0: i32, %arg1: memref<200x2048xf32, #tpu.memory_space<vmem>>, %arg2: memref<200x2048xf32, #tpu.memory_space<vmem>>, %arg3: memref<200x2048xf32, #tpu.memory_space<vmem>>, %arg4: memref<200x2048xf32, #tpu.memory_space<vmem>>, %arg5: memref<200x2048xf32, #tpu.memory_space<vmem>>, %arg6: memref<1x1x2048xi32, #tpu.memory_space<vmem>>, %arg7: memref<1x1xf32, #tpu.memory_space<smem>>, %arg8: memref<1x1x2048xf32, #tpu.memory_space<vmem>>) attributes {dimension_semantics = [#tpu.dimension_semantics<arbitrary>], iteration_bounds = array<i64: 8>, scalar_prefetch = 0 : i64, scratch_operands = 0 : i64, tpu.core_type = #tpu.core_type<tc>, window_params = [{transform_indices = @transform_0, window_bounds = array<i64: 200, 2048>}, {transform_indices = @transform_1, window_bounds = array<i64: 200, 2048>}, {transform_indices = @transform_2, window_bounds = array<i64: 200, 2048>}, {transform_indices = @transform_3, window_bounds = array<i64: 200, 2048>}, {transform_indices = @transform_4, window_bounds = array<i64: 200, 2048>}, {transform_indices = @transform_5, window_bounds = array<i64: 1, 1, 2048>}, {transform_indices = @transform_6, window_bounds = array<i64: 1, 1>}, {transform_indices = @transform_7, window_bounds = array<i64: 1, 1, 2048>}]} {
    %eq3A = arith.constant 0 : i32
    %eq3A_0 = arith.cmpi eq, %arg0, %eq3A : i32
    %convert_element_type3A = arith.extui %eq3A_0 : i1 to i32
    %cond3A = arith.constant 0 : i32
    %cond3A_1 = arith.cmpi ne, %convert_element_type3A, %cond3A : i32
    scf.if %cond3A_1 {
      %swap3A_129 = arith.constant 0.000000e+00 : f32
      %swap3A_130 = arith.constant 0 : index
      %swap3A_131 = arith.constant 0 : index
      %swap3A_132 = memref.load %arg7[%swap3A_130, %swap3A_131] : memref<1x1xf32, #tpu.memory_space<smem>>
      memref.store %swap3A_129, %arg7[%swap3A_130, %swap3A_131] : memref<1x1xf32, #tpu.memory_space<smem>>
    } else {
    }
    %get3A = arith.constant 0 : index
    %get3A_2 = arith.constant 0 : index
    %get3A_3 = arith.constant 0 : index
    %get3A_4 = vector.load %arg6[%get3A, %get3A_2, %get3A_3] : memref<1x1x2048xi32, #tpu.memory_space<vmem>>, vector<1x1x2048xi32>
    %get3A_5 = vector.shape_cast %get3A_4 : vector<1x1x2048xi32> to vector<2048xi32>
    %broadcast_in_dim3A = arith.constant 0.000000e+00 : f32
    %broadcast_in_dim3A_6 = vector.broadcast %broadcast_in_dim3A : f32 to vector<2048xf32>
    %get3A_7 = arith.constant 0 : index
    %get3A_8 = arith.constant 0 : index
    %get3A_9 = vector.load %arg1[%get3A_7, %get3A_8] : memref<200x2048xf32, #tpu.memory_space<vmem>>, vector<200x2048xf32>
    %mul3A = arith.mulf %get3A_9, %get3A_9 : vector<200x2048xf32>
    %reduce_sum3A = vector.shape_cast %mul3A : vector<200x2048xf32> to vector<1x200x2048xf32>
    %reduce_sum3A_10 = arith.constant dense<0.000000e+00> : vector<1xf32>
    %reduce_sum3A_11 = vector.multi_reduction <add>, %reduce_sum3A, %reduce_sum3A_10 [1, 2] : vector<1x200x2048xf32> to vector<1xf32>
    %reduce_sum3A_12 = vector.shape_cast %reduce_sum3A_11 : vector<1xf32> to vector<1x1x1xf32>
    %reduce_sum3A_13 = vector.extract %reduce_sum3A_12[0, 0, 0] : f32 from vector<1x1x1xf32>
    %add3A = arith.constant 0.000000e+00 : f32
    %add3A_14 = arith.addf %add3A, %reduce_sum3A_13 : f32
    %iota3A = tpu.iota {dimensions = array<i32: 0>} : vector<200x2048xi32>
    %add3A_15 = arith.constant 0 : i32
    %add3A_16 = vector.broadcast %add3A_15 : i32 to vector<200x2048xi32>
    %add3A_17 = arith.addi %iota3A, %add3A_16 : vector<200x2048xi32>
    %broadcast_in_dim3A_18 = vector.shape_cast %get3A_5 : vector<2048xi32> to vector<1x2048xi32>
    %eq3A_19 = vector.broadcast %broadcast_in_dim3A_18 : vector<1x2048xi32> to vector<200x2048xi32>
    %eq3A_20 = arith.cmpi eq, %add3A_17, %eq3A_19 : vector<200x2048xi32>
    %jit3A = arith.constant 0.000000e+00 : f32
    %broadcast_in_dim3A_21 = vector.broadcast %jit3A : f32 to vector<200x2048xf32>
    %select_n3A = arith.select %eq3A_20, %get3A_9, %broadcast_in_dim3A_21 : vector<200x2048xi1>, vector<200x2048xf32>
    %reduce_sum3A_22 = arith.constant dense<0.000000e+00> : vector<2048xf32>
    %reduce_sum3A_23 = vector.multi_reduction <add>, %select_n3A, %reduce_sum3A_22 [0] : vector<200x2048xf32> to vector<2048xf32>
    %add3A_24 = arith.addf %broadcast_in_dim3A_6, %reduce_sum3A_23 : vector<2048xf32>
    %get3A_25 = arith.constant 0 : index
    %get3A_26 = arith.constant 0 : index
    %get3A_27 = vector.load %arg2[%get3A_25, %get3A_26] : memref<200x2048xf32, #tpu.memory_space<vmem>>, vector<200x2048xf32>
    %mul3A_28 = arith.mulf %get3A_27, %get3A_27 : vector<200x2048xf32>
    %reduce_sum3A_29 = vector.shape_cast %mul3A_28 : vector<200x2048xf32> to vector<1x200x2048xf32>
    %reduce_sum3A_30 = arith.constant dense<0.000000e+00> : vector<1xf32>
    %reduce_sum3A_31 = vector.multi_reduction <add>, %reduce_sum3A_29, %reduce_sum3A_30 [1, 2] : vector<1x200x2048xf32> to vector<1xf32>
    %reduce_sum3A_32 = vector.shape_cast %reduce_sum3A_31 : vector<1xf32> to vector<1x1x1xf32>
    %reduce_sum3A_33 = vector.extract %reduce_sum3A_32[0, 0, 0] : f32 from vector<1x1x1xf32>
    %add3A_34 = arith.addf %add3A_14, %reduce_sum3A_33 : f32
    %iota3A_35 = tpu.iota {dimensions = array<i32: 0>} : vector<200x2048xi32>
    %add3A_36 = arith.constant 200 : i32
    %add3A_37 = vector.broadcast %add3A_36 : i32 to vector<200x2048xi32>
    %add3A_38 = arith.addi %iota3A_35, %add3A_37 : vector<200x2048xi32>
    %broadcast_in_dim3A_39 = vector.shape_cast %get3A_5 : vector<2048xi32> to vector<1x2048xi32>
    %eq3A_40 = vector.broadcast %broadcast_in_dim3A_39 : vector<1x2048xi32> to vector<200x2048xi32>
    %eq3A_41 = arith.cmpi eq, %add3A_38, %eq3A_40 : vector<200x2048xi32>
    %jit3A_42 = arith.constant 0.000000e+00 : f32
    %broadcast_in_dim3A_43 = vector.broadcast %jit3A_42 : f32 to vector<200x2048xf32>
    %select_n3A_44 = arith.select %eq3A_41, %get3A_27, %broadcast_in_dim3A_43 : vector<200x2048xi1>, vector<200x2048xf32>
    %reduce_sum3A_45 = arith.constant dense<0.000000e+00> : vector<2048xf32>
    %reduce_sum3A_46 = vector.multi_reduction <add>, %select_n3A_44, %reduce_sum3A_45 [0] : vector<200x2048xf32> to vector<2048xf32>
    %add3A_47 = arith.addf %add3A_24, %reduce_sum3A_46 : vector<2048xf32>
    %get3A_48 = arith.constant 0 : index
    %get3A_49 = arith.constant 0 : index
    %get3A_50 = vector.load %arg3[%get3A_48, %get3A_49] : memref<200x2048xf32, #tpu.memory_space<vmem>>, vector<200x2048xf32>
    %mul3A_51 = arith.mulf %get3A_50, %get3A_50 : vector<200x2048xf32>
    %reduce_sum3A_52 = vector.shape_cast %mul3A_51 : vector<200x2048xf32> to vector<1x200x2048xf32>
    %reduce_sum3A_53 = arith.constant dense<0.000000e+00> : vector<1xf32>
    %reduce_sum3A_54 = vector.multi_reduction <add>, %reduce_sum3A_52, %reduce_sum3A_53 [1, 2] : vector<1x200x2048xf32> to vector<1xf32>
    %reduce_sum3A_55 = vector.shape_cast %reduce_sum3A_54 : vector<1xf32> to vector<1x1x1xf32>
    %reduce_sum3A_56 = vector.extract %reduce_sum3A_55[0, 0, 0] : f32 from vector<1x1x1xf32>
    %add3A_57 = arith.addf %add3A_34, %reduce_sum3A_56 : f32
    %iota3A_58 = tpu.iota {dimensions = array<i32: 0>} : vector<200x2048xi32>
    %add3A_59 = arith.constant 400 : i32
    %add3A_60 = vector.broadcast %add3A_59 : i32 to vector<200x2048xi32>
    %add3A_61 = arith.addi %iota3A_58, %add3A_60 : vector<200x2048xi32>
    %broadcast_in_dim3A_62 = vector.shape_cast %get3A_5 : vector<2048xi32> to vector<1x2048xi32>
    %eq3A_63 = vector.broadcast %broadcast_in_dim3A_62 : vector<1x2048xi32> to vector<200x2048xi32>
    %eq3A_64 = arith.cmpi eq, %add3A_61, %eq3A_63 : vector<200x2048xi32>
    %jit3A_65 = arith.constant 0.000000e+00 : f32
    %broadcast_in_dim3A_66 = vector.broadcast %jit3A_65 : f32 to vector<200x2048xf32>
    %select_n3A_67 = arith.select %eq3A_64, %get3A_50, %broadcast_in_dim3A_66 : vector<200x2048xi1>, vector<200x2048xf32>
    %reduce_sum3A_68 = arith.constant dense<0.000000e+00> : vector<2048xf32>
    %reduce_sum3A_69 = vector.multi_reduction <add>, %select_n3A_67, %reduce_sum3A_68 [0] : vector<200x2048xf32> to vector<2048xf32>
    %add3A_70 = arith.addf %add3A_47, %reduce_sum3A_69 : vector<2048xf32>
    %get3A_71 = arith.constant 0 : index
    %get3A_72 = arith.constant 0 : index
    %get3A_73 = vector.load %arg4[%get3A_71, %get3A_72] : memref<200x2048xf32, #tpu.memory_space<vmem>>, vector<200x2048xf32>
    %mul3A_74 = arith.mulf %get3A_73, %get3A_73 : vector<200x2048xf32>
    %reduce_sum3A_75 = vector.shape_cast %mul3A_74 : vector<200x2048xf32> to vector<1x200x2048xf32>
    %reduce_sum3A_76 = arith.constant dense<0.000000e+00> : vector<1xf32>
    %reduce_sum3A_77 = vector.multi_reduction <add>, %reduce_sum3A_75, %reduce_sum3A_76 [1, 2] : vector<1x200x2048xf32> to vector<1xf32>
    %reduce_sum3A_78 = vector.shape_cast %reduce_sum3A_77 : vector<1xf32> to vector<1x1x1xf32>
    %reduce_sum3A_79 = vector.extract %reduce_sum3A_78[0, 0, 0] : f32 from vector<1x1x1xf32>
    %add3A_80 = arith.addf %add3A_57, %reduce_sum3A_79 : f32
    %iota3A_81 = tpu.iota {dimensions = array<i32: 0>} : vector<200x2048xi32>
    %add3A_82 = arith.constant 600 : i32
    %add3A_83 = vector.broadcast %add3A_82 : i32 to vector<200x2048xi32>
    %add3A_84 = arith.addi %iota3A_81, %add3A_83 : vector<200x2048xi32>
    %broadcast_in_dim3A_85 = vector.shape_cast %get3A_5 : vector<2048xi32> to vector<1x2048xi32>
    %eq3A_86 = vector.broadcast %broadcast_in_dim3A_85 : vector<1x2048xi32> to vector<200x2048xi32>
    %eq3A_87 = arith.cmpi eq, %add3A_84, %eq3A_86 : vector<200x2048xi32>
    %jit3A_88 = arith.constant 0.000000e+00 : f32
    %broadcast_in_dim3A_89 = vector.broadcast %jit3A_88 : f32 to vector<200x2048xf32>
    %select_n3A_90 = arith.select %eq3A_87, %get3A_73, %broadcast_in_dim3A_89 : vector<200x2048xi1>, vector<200x2048xf32>
    %reduce_sum3A_91 = arith.constant dense<0.000000e+00> : vector<2048xf32>
    %reduce_sum3A_92 = vector.multi_reduction <add>, %select_n3A_90, %reduce_sum3A_91 [0] : vector<200x2048xf32> to vector<2048xf32>
    %add3A_93 = arith.addf %add3A_70, %reduce_sum3A_92 : vector<2048xf32>
    %get3A_94 = arith.constant 0 : index
    %get3A_95 = arith.constant 0 : index
    %get3A_96 = vector.load %arg5[%get3A_94, %get3A_95] : memref<200x2048xf32, #tpu.memory_space<vmem>>, vector<200x2048xf32>
    %mul3A_97 = arith.mulf %get3A_96, %get3A_96 : vector<200x2048xf32>
    %reduce_sum3A_98 = vector.shape_cast %mul3A_97 : vector<200x2048xf32> to vector<1x200x2048xf32>
    %reduce_sum3A_99 = arith.constant dense<0.000000e+00> : vector<1xf32>
    %reduce_sum3A_100 = vector.multi_reduction <add>, %reduce_sum3A_98, %reduce_sum3A_99 [1, 2] : vector<1x200x2048xf32> to vector<1xf32>
    %reduce_sum3A_101 = vector.shape_cast %reduce_sum3A_100 : vector<1xf32> to vector<1x1x1xf32>
    %reduce_sum3A_102 = vector.extract %reduce_sum3A_101[0, 0, 0] : f32 from vector<1x1x1xf32>
    %add3A_103 = arith.addf %add3A_80, %reduce_sum3A_102 : f32
    %iota3A_104 = tpu.iota {dimensions = array<i32: 0>} : vector<200x2048xi32>
    %add3A_105 = arith.constant 800 : i32
    %add3A_106 = vector.broadcast %add3A_105 : i32 to vector<200x2048xi32>
    %add3A_107 = arith.addi %iota3A_104, %add3A_106 : vector<200x2048xi32>
    %broadcast_in_dim3A_108 = vector.shape_cast %get3A_5 : vector<2048xi32> to vector<1x2048xi32>
    %eq3A_109 = vector.broadcast %broadcast_in_dim3A_108 : vector<1x2048xi32> to vector<200x2048xi32>
    %eq3A_110 = arith.cmpi eq, %add3A_107, %eq3A_109 : vector<200x2048xi32>
    %jit3A_111 = arith.constant 0.000000e+00 : f32
    %broadcast_in_dim3A_112 = vector.broadcast %jit3A_111 : f32 to vector<200x2048xf32>
    %select_n3A_113 = arith.select %eq3A_110, %get3A_96, %broadcast_in_dim3A_112 : vector<200x2048xi1>, vector<200x2048xf32>
    %reduce_sum3A_114 = arith.constant dense<0.000000e+00> : vector<2048xf32>
    %reduce_sum3A_115 = vector.multi_reduction <add>, %select_n3A_113, %reduce_sum3A_114 [0] : vector<200x2048xf32> to vector<2048xf32>
    %add3A_116 = arith.addf %add3A_93, %reduce_sum3A_115 : vector<2048xf32>
    %get3A_117 = arith.constant 0 : index
    %get3A_118 = arith.constant 0 : index
    %get3A_119 = memref.load %arg7[%get3A_117, %get3A_118] : memref<1x1xf32, #tpu.memory_space<smem>>
    %add3A_120 = arith.addf %get3A_119, %add3A_103 : f32
    %swap3A = arith.constant 0 : index
    %swap3A_121 = arith.constant 0 : index
    %swap3A_122 = memref.load %arg7[%swap3A, %swap3A_121] : memref<1x1xf32, #tpu.memory_space<smem>>
    memref.store %add3A_120, %arg7[%swap3A, %swap3A_121] : memref<1x1xf32, #tpu.memory_space<smem>>
    %swap3A_123 = arith.constant 0 : index
    %swap3A_124 = arith.constant 0 : index
    %swap3A_125 = arith.constant 0 : index
    %swap3A_126 = vector.load %arg8[%swap3A_123, %swap3A_124, %swap3A_125] : memref<1x1x2048xf32, #tpu.memory_space<vmem>>, vector<1x1x2048xf32>
    %swap3A_127 = vector.shape_cast %swap3A_126 : vector<1x1x2048xf32> to vector<2048xf32>
    %swap3A_128 = vector.shape_cast %add3A_116 : vector<2048xf32> to vector<1x1x2048xf32>
    tpu.vector_store %arg8[%swap3A_123, %swap3A_124, %swap3A_125], %swap3A_128 {strides = array<i32>} : memref<1x1x2048xf32, #tpu.memory_space<vmem>>, vector<1x1x2048xf32>,
    return
  }
  func.func @transform_0(%arg0: i32) -> (i32, i32) {
    %c0_i32 = arith.constant 0 : i32
    %c0_i32_0 = arith.constant 0 : i32
    return %c0_i32, %arg0 : i32, i32
  }
  func.func @transform_1(%arg0: i32) -> (i32, i32) {
    %c1_i32 = arith.constant 1 : i32
    %c0_i32 = arith.constant 0 : i32
    return %c1_i32, %arg0 : i32, i32
  }
  func.func @transform_2(%arg0: i32) -> (i32, i32) {
    %c2_i32 = arith.constant 2 : i32
    %c0_i32 = arith.constant 0 : i32
    return %c2_i32, %arg0 : i32, i32
  }
  func.func @transform_3(%arg0: i32) -> (i32, i32) {
    %c3_i32 = arith.constant 3 : i32
    %c0_i32 = arith.constant 0 : i32
    return %c3_i32, %arg0 : i32, i32
  }
  func.func @transform_4(%arg0: i32) -> (i32, i32) {
    %c4_i32 = arith.constant 4 : i32
    %c0_i32 = arith.constant 0 : i32
    return %c4_i32, %arg0 : i32, i32
  }
  func.func @transform_5(%arg0: i32) -> (i32, i32, i32) {
    %c0_i32 = arith.constant 0 : i32
    %c0_i32_0 = arith.constant 0 : i32
    %c0_i32_1 = arith.constant 0 : i32
    return %c0_i32, %c0_i32_0, %arg0 : i32, i32, i32
  }
  func.func @transform_6(%arg0: i32) -> (i32, i32) {
    %c0_i32 = arith.constant 0 : i32
    %c0_i32_0 = arith.constant 0 : i32
    %c0_i32_1 = arith.constant 0 : i32
    return %c0_i32, %c0_i32_0 : i32, i32
  }
  func.func @transform_7(%arg0: i32) -> (i32, i32, i32) {
    %c0_i32 = arith.constant 0 : i32
    %c0_i32_0 = arith.constant 0 : i32
    %c0_i32_1 = arith.constant 0 : i32
    return %c0_i32, %c0_i32_0, %arg0 : i32, i32, i32
  }
}

</mosaic_0001>

<sc_bundles>
// kernel: kernel.4.cloned.1.call-start
scs
__scs_entry_jumppad:
0x0: {  	(pc) =	sbr.rel $0x88, $3  }
0x1: {  	(tag) =	ssettag $0x0;
	lr =	simm.s32 $0x1  }
0x2: {  	[smem:$0x3F9F] =	sst lr;
	_ =	strace $0xD0000000  }
0x3: {  	_ = 	snop  }
0x4: {  	_ = 	snop  }
0x5: {  	_ = 	snop  }
0x6: {  	_ = 	snop  }
0x7: {  	_ = 	snop  }
__scs_overlays_trampoline_lowered:
0x8: {  	[smem:$0x3FAE] =	sst s0  }
0x9: {  	[smem:$0x3FAF] =	sst s1  }
0xa: {  	[smem:$0x3FB0] =	sst s2  }
0xb: {  	[smem:$0x3FB1] =	sst s3  }
0xc: {  	[smem:$0x3FB2] =	sst s4  }
0xd: {  	[smem:$0x3FB3] =	sst s5  }
0xe: {  	[smem:$0x3FB4] =	sst s6  }
0xf: {  	[smem:$0x3FB5] =	sst s7  }
0x10: {  	[smem:$0x3FB6] =	sst s8  }
0x11: {  	[smem:$0x3FB7] =	sst s9;
	s0 =	simm.s32 @!p0 $0x0  }
0x12: {  	s1 =	sld [smem:$0x3F9D];
	s0 =	simm.s32 @p0 $0x1  }
0x13: {  	[smem:$0x3FB8] =	sst s0;
	s0 =	simm.s32 @!p1 $0x0  }
0x14: {  	s2 =	sld [smem:$0x3F9C];
	s0 =	simm.s32 @p1 $0x1  }
0x15: {  	[smem:$0x3FB9] =	sst s0;
	s0 =	simm.s32 @!p2 $0x0  }
0x16: {  	s3 =	sld [smem:$0x3FDB];
	s0 =	simm.s32 @p2 $0x1  }
0x17: {  	s4 =	simm.s32 $0x1BF5;
	[smem:$0x3FBB] =	sst s0  }
0x18: {  	s0 =	sld [smem:$0x3F9E];
	_ =	swait.ge [sflag:s4], $0x0  }
0x19: {  	s7 =	sld [smem:$0x3F9F]  }
0x1a: {  	s8 =	sadd.s32 $0xFFFFE003, lr  }
0x1b: {  	s9 =	sadd.s32 $0xFFFFFEF7, lr;
	s5 =	simm.s32 $0xFFFFFFFF;
	p2 =	slt.u32 s8, $0xFFFFF086  }
0x1c: {  	p1 =	slt.u32 s9, $0xF7A;
	s5 =	simm.s32 @!p2 $0x0  }
0x1d: {  	s5 =	simm.s32 @p1 $0x1;
	p0 =	seq.s32 s7, s2  }
0x1e: {  	s7 =	smul.u32 @!p0 $0xF7A, s2;
	p2 =	seq.s32 @!p0 s5, $0x0  }
0x1f: {  	s9 =	smul.u32 $0xF7A, s1;
	s8 =	simm.s32 @!p0 $0x1BF5;
	p2 =	por !p2, p0  }
0x20: {  	[sflag:s8] =	ssyncset.s32 @!p0 $0xFFFFF086;
	s6 =	sadd.s32 @!p0 s3, s7;
	s7 =	simm.s32 @!p0 $0x108  }
0x21: {  	s3 =	sadd.s32 s3, s9;
	s6 =	sadd.s32 @!p0 $0x88, s6;
	s7 =	simm.s32 @p2 $0x1082  }
0x22: {  	[simem:s7], [sflag:s8] =	dma.local @!p0 [hbm:s6], $0xF7A  }
0x23: {  	s9 =	sor.u32 $0xD0000000, s2;
	s6 =	simm.s32 $0x108;
	_ =	swait.ge @!p0 [sflag:s8], $0x0  }
0x24: {  	s3 =	sadd.s32 $0x88, s3;
	s6 =	simm.s32 @!p1 $0x1082;
	[sflag:s4] =	ssyncset.s32 $0xFFFFF086  }
0x25: {  	[simem:s6], [sflag:s4] =	dma.local [hbm:s3], $0xF7A  }
0x26: {  	[smem:$0x3F9F] =	sst s1;
	(tag) =	ssettag s2;
	_ =	strace s9  }
0x27: {  	s1 =	sld [smem:$0x3FAF]  }
0x28: {  	s2 =	sld [smem:$0x3FB0]  }
0x29: {  	s4 =	sld [smem:$0x3FB2]  }
0x2a: {  	p0 =	seq.s32 s5, $0x0;
	s5 =	sld [smem:$0x3FB3]  }
0x2b: {  	s6 =	sld [smem:$0x3FB4]  }
0x2c: {  	s7 =	sld [smem:$0x3FB5]  }
0x2d: {  	s3 =	simm.s32 $0x108;
	s8 =	sld [smem:$0x3FB6]  }
0x2e: {  	s3 =	simm.s32 @!p0 $0x1082;
	s9 =	sld [smem:$0x3FB7]  }
0x2f: {  	lr =	sadd.s32 s0, s3;
	s0 =	sld [smem:$0x3FAE]  }
0x30: {  	s3 =	sld [smem:$0x3FB1]  }
0x31: {  	[smem:$0x3FBA] =	sst s10  }
0x32: {  	s10 =	sld [smem:$0x3FB8];
	_ =	sdelay $0x3  }
0x33: {  	p0 =	seq.s32 s10, $0x1;
	s10 =	sld [smem:$0x3FBA];
	_ =	sdelay $0x3  }
0x34: {  	[smem:$0x3FBA] =	sst s10  }
0x35: {  	s10 =	sld [smem:$0x3FB9];
	_ =	sdelay $0x3  }
0x36: {  	p1 =	seq.s32 s10, $0x1;
	s10 =	sld [smem:$0x3FBA];
	_ =	sdelay $0x3  }
0x37: {  	[smem:$0x3FBA] =	sst s10  }
0x38: {  	s10 =	sld [smem:$0x3FBB]  }
0x39: {  	_ = 	snop;
	(pc) =	sbr.ind lr, $3  }
0x3a: {  	_ = 	snop  }
0x3b: {  	_ = 	snop  }
0x3c: {  	p2 =	seq.s32 s10, $0x1;
	s10 =	sld [smem:$0x3FBA]  }
0x3d: {  	_ =	shalt  }
0x3e: {  	_ =	shalt  }
0x3f: {  	_ =	shalt  }
0x40: {  	_ =	shalt  }
0x41: {  	_ =	shalt  }
0x42: {  	_ =	shalt  }
0x43: {  	_ =	shalt  }
0x44: {  	_ =	shalt  }
0x45: {  	_ =	shalt  }
0x46: {  	_ =	shalt  }
0x47: {  	_ =	shalt  }
0x48: {  	_ =	shalt  }
0x49: {  	_ =	shalt  }
0x4a: {  	_ =	shalt  }
0x4b: {  	_ =	shalt  }
0x4c: {  	_ =	shalt  }
0x4d: {  	_ =	shalt  }
0x4e: {  	_ =	shalt  }
0x4f: {  	_ =	shalt  }
0x50: {  	_ =	shalt  }
0x51: {  	_ =	shalt  }
0x52: {  	_ =	shalt  }
0x53: {  	_ =	shalt  }
0x54: {  	_ =	shalt  }
0x55: {  	_ =	shalt  }
0x56: {  	_ =	shalt  }
0x57: {  	_ =	shalt  }
0x58: {  	_ =	shalt  }
0x59: {  	_ =	shalt  }
0x5a: {  	_ =	shalt  }
0x5b: {  	_ =	shalt  }
0x5c: {  	_ =	shalt  }
0x5d: {  	_ =	shalt  }
0x5e: {  	_ =	shalt  }
0x5f: {  	_ =	shalt  }
0x60: {  	_ =	shalt  }
0x61: {  	_ =	shalt  }
0x62: {  	_ =	shalt  }
0x63: {  	_ =	shalt  }
0x64: {  	_ =	shalt  }
0x65: {  	_ =	shalt  }
0x66: {  	_ =	shalt  }
0x67: {  	_ =	shalt  }
0x68: {  	_ =	shalt  }
0x69: {  	_ =	shalt  }
0x6a: {  	_ =	shalt  }
0x6b: {  	_ =	shalt  }
0x6c: {  	_ =	shalt  }
0x6d: {  	_ =	shalt  }
0x6e: {  	_ =	shalt  }
0x6f: {  	_ =	shalt  }
0x70: {  	_ =	shalt  }
0x71: {  	_ =	shalt  }
0x72: {  	_ =	shalt  }
0x73: {  	_ =	shalt  }
0x74: {  	_ =	shalt  }
0x75: {  	_ =	shalt  }
0x76: {  	_ =	shalt  }
0x77: {  	_ =	shalt  }
0x78: {  	_ =	shalt  }
0x79: {  	_ =	shalt  }
0x7a: {  	_ =	shalt  }
0x7b: {  	_ =	shalt  }
0x7c: {  	_ =	shalt  }
0x7d: {  	_ =	shalt  }
0x7e: {  	_ =	shalt  }
0x7f: {  	_ =	shalt  }
0x80: {  	_ =	shalt  }
0x81: {  	_ =	shalt  }
0x82: {  	_ =	shalt  }
0x83: {  	_ =	shalt  }
0x84: {  	_ =	shalt  }
0x85: {  	_ =	shalt  }
0x86: {  	_ =	shalt  }
0x87: {  	_ =	shalt  }
.Lfunc_end0:
.L_simem_size_0:
called_computation_lowered:
.L_overlay_start_0:
0x88: {  	s2 =	sld [smem:$0x3FD9]  }
0x89: {  	s3 =	sld [smem:$0x3FFE];
	_ =	sdelay $0x1  }
0x8a: {  	s1 =	srdreg.scid  }
0x8b: {  	s0 =	sand.u32 $0x1, s1  }
0x8c: {  	s17 =	sshll.u32 s0, $0xA;
	s2 =	sadd.s32 s3, s2  }
0x8d: {  	s2 =	sadd.s32 s2, s17  }
0x8e: {  	[smem:$0x3FC6] =	sst s2  }
0x8f: {  	_ = 	snop  }
0x90: {  	s2 =	sld [smem:$0x3FD0];
	(tm) =	ssettm $0x1  }
0x91: {  	s18 =	sld [smem:$0x3FFB];
	_ =	sdelay $0x3  }
0x92: {  	_ =	strace s18  }
0x93: {  	s3 =	sld [smem:$0x3FFC];
	_ =	sdelay $0x3  }
0x94: {  	_ =	strace s3  }
0x95: {  	s3 =	sld [smem:$0x3FFD];
	_ =	sdelay $0x3  }
0x96: {  	_ =	strace s3  }
0x97: {  	_ =	strace $0x8FFFFFFF  }
0x98: {  	s19 =	sld [smem:$0x3FDB];
	_ =	sdelay $0x1  }
0x99: {  	s4 =	simm.s32 $_scs_section_size  }
0x9a: {  	s5 =	simm.s32 $_size__tile_overlayer_lowered;
	s6 =	simm.s32 $_tile_overlayer_lowered  }
0x9b: {  	s22 =	simm.s32 $0x1BFF;
	s21 =	sshll.u32 s6, $0x1;
	s3 =	sadd.s32 s4, s19  }
0x9c: {  	s7 =	simm.s32 $0x0;
	s20 =	sshll.u32 s5, $0x1;
	s5 =	sadd.s32 s21, s3  }
0x9d: {  	[timem:s7], [sflag:s22] =	dma.local [hbm:s5], s20  }
0x9e: {  	_ =	swait.ge [sflag:s22], s20  }
0x9f: {  	s4 =	ssub.s32 $0x0, s20;
	[sflag:s22] =	ssyncset.done $0x0  }
0xa0: {  	[sflag:s22] =	ssyncadd.s32 s4;
	_ =	sdelay $0x1  }
0xa1: {  	s23 =	simm.s32 $0x1B8B  }
0xa2: {  	_ =	swait.ge [sflag:s23], $0x1  }
0xa3: {  	[sflag:s23] =	ssyncset.done $0x0  }
0xa4: {  	s25 =	simm.s32 $0x1B8E;
	s24 =	sld [smem:$0x3FFE];
	[sflag:s23] =	ssyncadd.s32 $0xFFFFFFFF  }
0xa5: {  	s26 =	simm.s32 $execute0_lowered;
	[smem:$0x3FD2] =	sst s25  }
0xa6: {  	s5 =	sshll.u32 s26, $0x1;
	_ =	strace $0x80000046;
	[dreg:$0x1] =	wrdreg $0xFFFFFFFF  }
0xa7: {  	s28 =	simm.s32 $_size_execute0_lowered;
	s3 =	sadd.s32 s3, s5;
	[dreg:$0x0] =	wrdreg $0x0  }
0xa8: {  	s5 =	sshll.u32 s28, $0x1;
	[dreg:$0x2] =	wrdreg s3  }
0xa9: {  	[dreg:$0x3] =	wrdreg s5  }
0xaa: {  	[dreg:$0x4] =	wrdreg $0xC0  }
0xab: {  	_ =	task [dreg:s7], $0x5FFFF  }
0xac: {  	[dreg:$0x1] =	wrdreg $0xFFFFFFFF  }
0xad: {  	[dreg:$0x0] =	wrdreg $0x60  }
0xae: {  	[dreg:$0x2] =	wrdreg s24  }
0xaf: {  	[dreg:$0x3] =	wrdreg s2  }
0xb0: {  	[dreg:$0x4] =	wrdreg $0x9  }
0xb1: {  	_ =	task.clear_ibuf [dreg:s7], $0x5FFFF;
	_ =	strace $0x90000046  }
0xb2: {  	s29 =	simm.s32 $0x9;
	_ =	strace $0x80000048  }
0xb3: {  	_ =	swait.ge [sflag:s29], $0x1  }
0xb4: {  	[sflag:s29] =	ssyncadd.s32 $0xFFFFFFFF  }
0xb5: {  	_ =	strace $0x90000048  }
0xb6: {  	_ =	sfence  }
0xb7: {  	s30 =	sld [smem:$0x0];
	_ =	sdelay $0x2  }
0xb8: {  	s31 =	sshll.u32 s1, $0xD;
	s1 =	sshrl.u32 s1, $0x2  }
0xb9: {  	s3 =	sand.u32 $0x4000, s31;
	s1 =	sadd.s32 s1, s30  }
0xba: {  	s0 =	sor.u32 s3, s0;
	s1 =	sshll.u32 s1, $0x11  }
0xbb: {  	s0 =	sor.u32 s1, s0  }
0xbc: {  	s0 =	sadd.s32 $0x8F2B, s0  }
0xbd: {  	[sflag:s0] =	ssyncadd.remote.s32 $0x1  }
0xbe: {  	_ =	sfence.sel $0xFFFF  }
0xbf: {  	[dreg:$0x0] =	wrdreg $0xFFFFFFFF;
	(pc) =	sbr.abs _section_cstart, $3  }
0xc0: {  	[dreg:$0x1] =	wrdreg $0xFFFFFFFF  }
0xc1: {  	_ =	task.clear_ibuf [dreg:s7], $0x2FFFF;
	_ =	strace $0x9FFFFFFF  }
0xc2: {  	(tm) =	ssettm $0x7FFFFFFF  }
0xc3: {  	_ =	shalt  }
tec
execute0_lowered:
.L_overlay_start_1:
0x0: {  	(tag) =	ssettag $0x1  }
0x1: {  	s0 =	srdreg.scid  }
0x2: {  	s3 =	sand.u32 $0x1, s0;
	s0 =	stileid.u32  }
0x3: {  	s5 =	sshll.u32 s0, $0x1;
	s6 =	ssub.s32 $0x0, s3  }
0x4: {  	p0 =	sne.s32 s5, s6  }
.Ltmp0:
0x5: {  	_ = 	snop;
	(pc) =	sbr.rel @p0 .LBB2_5-.Ltmp0, $4  }
0x6: {  	_ = 	snop  }
0x7: {  	s4 =	rddreg [dreg:$0x0]  }
0x8: {  	s2 =	rddreg [dreg:$0x1]  }
0x9: {  	s1 =	rddreg [dreg:$0x2];
	_ =	strace $0x80000047  }
0xa: {  	v0 =	vimm.s32 $0xFEDCBA98  }
0xb: {  	v1 =	vimm.s32 $0x76543210;
	v2 =	vimm.s32 $0x3210FEDC;
	v3 =	vimm.s32 $0xBA987654  }
0xc: {  	v4 =	vimm.s32 $0x10FEDCBA;
	v5 =	vimm.s32 $0x98765432;
	v6 =	vimm.s32 $0xFEDCBA9  }
0xd: {  	v7 =	vimm.s32 $0x87654321;
	v0 =	vunpack.c.l.s4.s8 v0;
	v1 =	vunpack.c.l.s4.s8 v1  }
0xe: {  	v2 =	vunpack.c.l.s4.s8 v2;
	v3 =	vunpack.c.l.s4.s8 v3;
	v4 =	vunpack.c.l.s4.s8 v4  }
0xf: {  	v5 =	vunpack.c.l.s4.s8 v5;
	v6 =	vunpack.c.l.s4.s8 v6;
	v7 =	vunpack.c.l.s4.s8 v7  }
0x10: {  	v0 =	vunpack.c.0.s8.s32 v0;
	v1 =	vunpack.c.0.s8.s32 v1;
	v2 =	vunpack.c.0.s8.s32 v2  }
0x11: {  	s5 =	ssub.s32 $0x2, s3;
	s3 =	sadd.s32 $0xA00, s4;
	s4 =	sadd.s32 $0x1200, s4;
	v3 =	vunpack.c.0.s8.s32 v3;
	v4 =	vunpack.c.0.s8.s32 v4;
	v5 =	vunpack.c.0.s8.s32 v5  }
0x12: {  	s7 =	simm.s32 $0x1;
	s8 =	simm.s32 $0x4000;
	s6 =	sshrl.u32 s5, $0x1;
	v6 =	vunpack.c.0.s8.s32 v6;
	v7 =	vunpack.c.0.s8.s32 v7;
	v0 =	vand.u32 $0xF, v0  }
0x13: {  	s9 =	simm.s32 $0x4080;
	s10 =	simm.s32 $0x0;
	s5 =	ssub.s32 s5, s6;
	v0 =	vcombine.low v0, v1;
	v1 =	vcombine.low v3, v2  }
0x14: {  	s13 =	simm.s32 $0x0;
	s6 =	simm.s32 $0x0;
	s5 =	smax.u32 s5, $0x1;
	v2 =	vcombine.low v5, v4;
	v3 =	vcombine.low v7, v6  }
.LBB2_2:
0x15: {  	[tilespmem:s6], [sflag:$0x1] =	stream.linear.gather [hbm4b:s3+s6], $0x4000, $0x38;
	[tilespmem:$0x4100] =	vst v63  }
0x16: {  	_ =	swait.ge [sflag:s7], $0x4000  }
0x17: {  	[sflag:s7] =	ssyncset.done $0x0  }
0x18: {  	[sflag:s7] =	ssyncadd.s32 $0xFFFFC000  }
0x19: {  	[tilespmem:s8], [sflag:$0x1] =	stream.linear.gather [hbm4b:s4+s6], $0x80, $0x38;
	[tilespmem:$0x4100] =	vst v63  }
0x1a: {  	_ =	swait.ge [sflag:s7], $0x80  }
0x1b: {  	[sflag:s7] =	ssyncset.done $0x0  }
0x1c: {  	[sflag:s7] =	ssyncadd.s32 $0xFFFFFF80  }
0x1d: {  	v4 =	vld [tilespmem:s13+$0x70]  }
0x1e: {  	v5 =	vld [tilespmem:s13+$0x0]  }
0x1f: {  	v7 =	vld [tilespmem:s13+$0x10]  }
0x20: {  	v16 =	vld [tilespmem:s13+$0x20]  }
0x21: {  	v15 =	vld [tilespmem:s13+$0x30]  }
0x22: {  	v6 =	vimm.f32 $0.0e+00;
	v12 =	vimm.f32 $0.0e+00;
	v8 =	vld [tilespmem:s13+$0x40]  }
0x23: {  	v13 =	vimm.f32 $0.0e+00;
	v9 =	vld [tilespmem:s13+$0x50];
	v4 =	vadd.f32 v4, v6;
	v11 =	vadd.f32 v5, v6  }
0x24: {  	s11 =	simm.s32 $0x80;
	s12 =	simm.s32 $0x400;
	v10 =	vld [tilespmem:s13+$0x60];
	v14 =	vadd.f32 v7, v6;
	v7 =	vimm.f32 $0.0e+00;
	v5 =	vimm.f32 $0.0e+00  }
.LBB2_3:
0x25: {  	p0 =	sne.s32 s12, $0xFE00;
	v17 =	vld [tilespmem:s11+$0x70];
	v6 =	vadd.f32 v16, v6  }
0x26: {  	v18 =	vld [tilespmem:s11+$0x0];
	v12 =	vadd.f32 v15, v12  }
0x27: {  	v19 =	vld [tilespmem:s11+$0x10];
	v13 =	vadd.f32 v8, v13  }
.Ltmp1:
0x28: {  	v16 =	vld [tilespmem:s11+$0x20];
	v7 =	vadd.f32 v9, v7;
	(pc) =	sbr.rel @p0 .LBB2_3-.Ltmp1, $4  }
0x29: {  	v15 =	vld [tilespmem:s11+$0x30];
	v5 =	vadd.f32 v10, v5  }
0x2a: {  	v8 =	vld [tilespmem:s11+$0x40];
	v4 =	vadd.f32 v17, v4  }
0x2b: {  	v11 =	vadd.f32 v18, v11;
	v9 =	vld [tilespmem:s11+$0x50]  }
0x2c: {  	v14 =	vadd.f32 v19, v14;
	v10 =	vld [tilespmem:s11+$0x60];
	s11 =	sshra.s32 s12, $0x2;
	s12 =	sadd.s32 $0x200, s12  }
0x2d: {  	v17 =	vld [tilespmem:s11+$0x0]  }
0x2e: {  	v18 =	vld [tilespmem:s11+$0x10];
	_ =	sdelay $0x1  }
0x2f: {  	v19 =	vld [tilespmem:s11+$0x20];
	_ =	sdelay $0x1  }
0x30: {  	v6 =	vadd.f32 v16, v6;
	v58 =	vld [tilespmem:s11+$0x30]  }
0x31: {  	v11 =	vadd.f32 v17, v11;
	v14 =	vadd.f32 v18, v14  }
0x32: {  	v59 =	vld [tilespmem:s11+$0x40];
	v12 =	vadd.f32 v15, v12  }
0x33: {  	v6 =	vadd.f32 v19, v6;
	v11 =	vadd.f32 v14, v11  }
0x34: {  	v60 =	vld [tilespmem:s11+$0x50];
	v8 =	vadd.f32 v8, v13  }
0x35: {  	v12 =	vadd.f32 v58, v12;
	v6 =	vadd.f32 v6, v11  }
0x36: {  	v61 =	vld [tilespmem:s11+$0x60];
	v7 =	vadd.f32 v9, v7  }
0x37: {  	v8 =	vadd.f32 v59, v8;
	v6 =	vadd.f32 v12, v6  }
0x38: {  	v62 =	vld [tilespmem:s11+$0x70];
	v5 =	vadd.f32 v10, v5  }
0x39: {  	v7 =	vadd.f32 v60, v7;
	v6 =	vadd.f32 v8, v6;
	_ =	sdelay $0x1  }
0x3a: {  	v5 =	vadd.f32 v61, v5;
	v6 =	vadd.f32 v7, v6;
	_ =	sdelay $0x1  }
0x3b: {  	v4 =	vadd.f32 v62, v4;
	v5 =	vadd.f32 v5, v6;
	_ =	sdelay $0x1  }
0x3c: {  	v4 =	vadd.f32 v4, v5;
	_ =	sdelay $0x1  }
0x3d: {  	v5 =	vperm.xlane v4, v0;
	_ =	sdelay $0x1  }
0x3e: {  	v4 =	vadd.f32 v5, v4;
	_ =	sdelay $0x1  }
0x3f: {  	v5 =	vperm.xlane v4, v1;
	_ =	sdelay $0x1  }
0x40: {  	v4 =	vadd.f32 v5, v4;
	_ =	sdelay $0x1  }
0x41: {  	v5 =	vperm.xlane v4, v2;
	_ =	sdelay $0x1  }
0x42: {  	v4 =	vadd.f32 v5, v4;
	_ =	sdelay $0x1  }
0x43: {  	v5 =	vperm.xlane v4, v3  }
0x44: {  	v63 =	vld [tilespmem:$0x4000]  }
0x45: {  	v4 =	vadd.f32 v5, v4;
	_ =	sdelay $0x1  }
0x46: {  	v4 =	vadd.f32 v4, v4;
	_ =	sdelay $0x1  }
0x47: {  	v4 =	vsub.f32 v63, v4;
	_ =	sdelay $0x1  }
0x48: {  	v4 =	vadd.f32 $1.638400000e+04, v4;
	_ =	sdelay $0x1  }
0x49: {  	s10 =	sadd.s32 $0x1, s10;
	v4 =	vmul.f32 $6.103515910e-08, v4  }
0x4a: {  	p0 =	sne.s32 s10, s5  }
.Ltmp2:
0x4b: {  	[tilespmem:$0x4080] =	vst v4;
	(pc) =	sbr.rel @p0 .LBB2_2-.Ltmp2, $4  }
0x4c: {  	[hbm4b:s2+s6] =	stream.linear.scatter [tilespmem:s9], [sflag:$0x1], $0x80, $0x38;
	[tilespmem:$0x4100] =	vst v63  }
0x4d: {  	_ =	swait.ge [sflag:s7], $0x80  }
0x4e: {  	[sflag:s7] =	ssyncset.done $0x0  }
0x4f: {  	[sflag:s7] =	ssyncadd.s32 $0xFFFFFF80  }
.LBB2_5:
0x50: {  	_ =	sfence.sel $0x180000  }
0x51: {  	[bflag:$0x0] =	sbarrier.arrive $0xFFFF  }
0x52: {  	p0 =	sne.s32 s0, $0x0;
	_ =	strace $0x90000047  }
0x53: {  	s0 =	sadd.s32 @!p0 $0x100000, s1;
	[bflag:$0x2] =	sbarrier.arrive $0xFFFF  }
0x54: {  	[sflag:s0] =	ssyncadd.tile.s32 @!p0 $0x1;
	_ =	shalt  }
.Lfunc_end2:
_tile_overlayer_lowered:
.L_overlay_start_2:
0x55: {  	(tag) =	ssettag $0x2  }
0x56: {  	s0 =	rddreg [dreg:$0x0];
	s2 =	stileid.u32  }
0x57: {  	s1 =	rddreg [dreg:$0x1];
	p0 =	sne.s32 s2, $0x0  }
0x58: {  	s3 =	rddreg [dreg:$0x2];
	[bflag:$0x3] =	sbarrier.arrive $0xFFFF;
	s2 =	simm.s32 @!p0 $0x1C01  }
0x59: {  	[timem:s3], [sflag:s2] =	dma.local @!p0 [hbm:s0], s1  }
0x5a: {  	s0 =	simm.s32 @!p0 $0x1  }
0x5b: {  	_ =	swait.ge @!p0 [sflag:s0], s1  }
0x5c: {  	s1 =	ssub.s32 @!p0 $0x0, s1;
	[sflag:s0] =	ssyncset.done @!p0 $0x0  }
0x5d: {  	[sflag:s0] =	ssyncadd.s32 @!p0 s1  }
0x5e: {  	[bflag:$0x3] =	sbarrier.arrive $0xFFFF  }
0x5f: {  	_ =	shalt  }

</sc_bundles>
